<compile_context>
chip_gen: v7x
topology: tpu7x:2x2x1
jax: 0.10.2.dev20260603
libtpu: 0.0.44.dev20260713+nightly
codegen_flags: <defaults>
</compile_context>

<pallas_src>
import functools

import jax
import jax.numpy as jnp
from jax import lax
from jax.experimental import pallas as pl
from jax.experimental.pallas import tpu as pltpu
from jax.experimental.pallas import tpu_sc as plsc

B, D, T = 32, 64, 576
K = 1024
N = B * T
EPS = 1e-12
BB = 8
W = BB * T
C = D + 8
INV_ND = 1.0 / float(N * D)

NC, NS = 2, 16
NW = NC * NS
TOK_PER_W = N // NW
GCHUNK = 96


def _vq_kernel(x_ref, emb_ref, embu_ref, aux_ref, idx_ref, loss_ref, cat_ref):
    g = pl.program_id(0)

    @pl.when(g == 0)
    def _init():
        loss_ref[...] = jnp.zeros((1, 1), jnp.float32)
        cat_ref[:, :D] = embu_ref[...].astype(jnp.bfloat16)
        cat_ref[:, D:] = aux_ref[...]

    x = jnp.concatenate([x_ref[i] for i in range(BB)], axis=1)
    emb = emb_ref[...]

    norm = jnp.sqrt(jnp.sum(x * x, axis=0, keepdims=True))
    xn = x / jnp.maximum(norm, EPS)

    dist = lax.dot_general(
        emb, xn, (((1,), (0,)), ((), ())),
        preferred_element_type=jnp.float32,
    )

    maxval = jnp.max(dist, axis=0, keepdims=True)
    mask = (dist >= maxval).astype(jnp.bfloat16)

    combo = lax.dot_general(
        cat_ref[...], mask, (((0,), (0,)), ((), ())),
        preferred_element_type=jnp.float32,
    )
    idxf = combo[D] * 32.0 + combo[D + 1]
    cnt = combo[D + 2]

    idx = idxf.astype(jnp.int32)
    for i in range(BB):
        idx_ref[i, 0] = idx[i * T:(i + 1) * T]
    diff = x - combo[:D]
    loss_ref[...] += (jnp.sum(diff * diff) * INV_ND).reshape(1, 1)

    tie = jnp.max(cnt) > 1.5

    @pl.when(tie)
    def _exact():
        iota_f = lax.broadcasted_iota(jnp.int32, (K, W), 0).astype(jnp.float32)
        idxe = jnp.min(jnp.where(dist >= maxval, iota_f, float(K)), axis=0)
        idxi = idxe.astype(jnp.int32)
        for i in range(BB):
            idx_ref[i, 0] = idxi[i * T:(i + 1) * T]


def _sc_gather(table_hbm, idx_hbm, out_hbm, idx_v, rows_v, sem):
    wid = lax.axis_index("s") * NC + lax.axis_index("c")
    base = wid * TOK_PER_W
    pltpu.sync_copy(idx_hbm.at[pl.ds(base, TOK_PER_W)], idx_v)
    copies = []
    for j in range(TOK_PER_W // GCHUNK):
        copies.append(pltpu.async_copy(
            table_hbm.at[idx_v.at[pl.ds(j * GCHUNK, GCHUNK)]],
            rows_v.at[pl.ds(j * GCHUNK, GCHUNK)],
            sem,
        ))
    for c in copies:
        c.wait()
    pltpu.sync_copy(rows_v, out_hbm.at[pl.ds(base, TOK_PER_W)])


def kernel(inputs, embedding, embedding_unnormalized):
    k_iota = jnp.arange(K, dtype=jnp.int32)
    aux = jnp.stack(
        [(k_iota >> 5).astype(jnp.bfloat16),
         (k_iota & 31).astype(jnp.bfloat16),
         jnp.ones((K,), jnp.bfloat16)]
        + [jnp.zeros((K,), jnp.bfloat16)] * 5,
        axis=1,
    )

    idx3, loss_sum = pl.pallas_call(
        _vq_kernel,
        grid=(B // BB,),
        in_specs=[
            pl.BlockSpec((BB, D, T), lambda g: (g, 0, 0)),
            pl.BlockSpec((K, D), lambda g: (0, 0)),
            pl.BlockSpec((K, D), lambda g: (0, 0)),
            pl.BlockSpec((K, 8), lambda g: (0, 0)),
        ],
        out_specs=[
            pl.BlockSpec((BB, 1, T), lambda g: (g, 0, 0)),
            pl.BlockSpec((1, 1), lambda g: (0, 0)),
        ],
        out_shape=[
            jax.ShapeDtypeStruct((B, 1, T), jnp.int32),
            jax.ShapeDtypeStruct((1, 1), jnp.float32),
        ],
        scratch_shapes=[pltpu.VMEM((K, C), jnp.bfloat16)],
    )(inputs, embedding, embedding_unnormalized, aux)

    encoding_indices = idx3.reshape(N)

    mesh = plsc.VectorSubcoreMesh(core_axis_name="c", subcore_axis_name="s")
    gather = functools.partial(
        pl.kernel,
        mesh=mesh,
        out_type=jax.ShapeDtypeStruct((N, 128), jnp.float32),
        scratch_types=[
            pltpu.VMEM((TOK_PER_W,), jnp.int32),
            pltpu.VMEM((TOK_PER_W, 128), jnp.float32),
            pltpu.SemaphoreType.DMA,
        ],
    )(_sc_gather)
    table = jnp.pad(embedding, ((0, 0), (0, 128 - D)))
    rows = gather(table, encoding_indices)

    quant = rows[:, :D].reshape(B, T, D).transpose(0, 2, 1)
    loss = loss_sum.reshape(())
    return (quant, loss, loss, encoding_indices)

# --- scband reference (transcript-rebuilt; emitter-appended) ---
"""Pipeline reference for scband-similarity-driven-vector-quantizer-1047972020229 (READ-ONLY COPY).

The authoritative reference and input builder live on the scoring server;
editing this copy changes nothing except your own understanding.
"""

import jax, jax.numpy as jnp
import numpy as np
from jax import lax

B, D, T = 32, 64, 576
K = 1024

def setup_inputs(seed: int = 0) -> dict:
    key = jax.random.key(seed)
    k1, k2, k3 = jax.random.split(key, 3)
    inputs = jax.random.normal(k1, (B, D, T), dtype=jnp.float32)
    emb = jax.random.normal(k2, (K, D), dtype=jnp.float32)
    # register_buffer('embedding', embedding / embedding.norm(dim=1, keepdim=True))
    embedding = emb / jnp.linalg.norm(emb, axis=1, keepdims=True)
    embedding_unnormalized = emb  # clone of the raw randn table
    return {"inputs": inputs, "embedding": embedding, "embedding_unnormalized": embedding_unnormalized}

def _l2_normalize(x, axis, eps=1e-12):
    # matches F.normalize(p=2): divide by norm clamped to eps
    n = jnp.linalg.norm(x, axis=axis, keepdims=True)
    return x / jnp.maximum(n, eps)

def reference(inputs, embedding, embedding_unnormalized):
    # inputs: [B, D, T] -> permute(0, 2, 1) -> [B, T, D]
    x = jnp.transpose(inputs, (0, 2, 1))
    input_shape = x.shape
    flat_input = x.reshape(-1, D)
    flat_input_unnormalized = flat_input
    flat_input_norm = _l2_normalize(flat_input, axis=1)
    # eval path: no codebook init / EMA update
    distances = jnp.matmul(flat_input_norm, embedding.T)  # [N, K] cosine similarities
    encoding_indices = jnp.argmax(distances, axis=1)
    # one_hot @ embedding == row gather from embedding (identical math)
    quantized = jnp.take(embedding, encoding_indices, axis=0).reshape(input_shape)
    commitment_loss = jnp.mean((flat_input_unnormalized - lax.stop_gradient(jnp.take(embedding_unnormalized, encoding_indices, axis=0))) ** 2)
    codebook_loss = jnp.mean((jnp.take(embedding_unnormalized, encoding_indices, axis=0) - lax.stop_gradient(flat_input_unnormalized)) ** 2)
    # straight-through estimator
    quantized = x + lax.stop_gradient(quantized - x)
    return (jnp.transpose(quantized, (0, 2, 1)), commitment_loss, codebook_loss, encoding_indices)

if __name__ == "__main__":
    import jax
    _d = setup_inputs()
    print(jax.jit(kernel)(*tuple(_d.values())))

</pallas_src>

<mosaic_0001>
#map = affine_map<(d0, d1) -> (0, 0)>
#map1 = affine_map<(d0, d1) -> (0)>
module attributes {stable_mosaic.version = 14 : i64} {
  func.func @_sc_gather(%arg0: i32, %arg1: i32, %arg2: memref<1024x128xf32, #tpu.memory_space<hbm>>, %arg3: memref<18432xi32, #tpu.memory_space<hbm>>, %arg4: memref<18432x128xf32, #tpu.memory_space<hbm>>, %arg5: memref<576xi32, #tpu.memory_space<vmem>>, %arg6: memref<576x128xf32, #tpu.memory_space<vmem>>, %arg7: memref<!tpu.dma_semaphore, #tpu.memory_space<semaphore_mem>>) attributes {dimension_semantics = [#tpu.dimension_semantics<core_parallel>, #tpu.dimension_semantics<subcore_parallel>], iteration_bounds = array<i64: 2, 16>, scalar_prefetch = 0 : i64, scratch_operands = 3 : i64, tpu.core_type = #tpu.core_type<sc_vector_subcore>, window_params = [{transform_indices = #map}, {transform_indices = #map1}, {transform_indices = #map}]} {
    %mul3A = arith.constant 2 : i32
    %mul3A_0 = arith.muli %arg1, %mul3A : i32
    %add3A = arith.addi %mul3A_0, %arg0 : i32
    %mul3A_1 = arith.constant 576 : i32
    %mul3A_2 = arith.muli %add3A, %mul3A_1 : i32
    "tpu.region"() ({
      %run_scoped3A = tpu.sem_alloc : memref<!tpu.dma_semaphore, #tpu.memory_space<semaphore_mem>>
      %dma_start3A_97 = tpu.memref_slice %arg3[%mul3A_2] : memref<18432xi32, #tpu.memory_space<hbm>> -> memref<576xi32, #tpu.memory_space<hbm>>
      %dma_start3A_98 = tpu.memref_slice %arg3[%mul3A_2] : memref<18432xi32, #tpu.memory_space<hbm>> -> memref<576xi32, #tpu.memory_space<hbm>>
      tpu.enqueue_dma source(%dma_start3A_98 : memref<576xi32, #tpu.memory_space<hbm>>) target(%arg5 : memref<576xi32, #tpu.memory_space<vmem>>) target_semaphore(%run_scoped3A : memref<!tpu.dma_semaphore, #tpu.memory_space<semaphore_mem>>)
      %dma_wait3A_99 = tpu.memref_slice %arg3[%mul3A_2] : memref<18432xi32, #tpu.memory_space<hbm>> -> memref<576xi32, #tpu.memory_space<hbm>>
      %dma_wait3A_100 = tpu.memref_slice %arg3[%mul3A_2] : memref<18432xi32, #tpu.memory_space<hbm>> -> memref<576xi32, #tpu.memory_space<hbm>>
      tpu.wait_dma2 semaphore(%run_scoped3A : memref<!tpu.dma_semaphore, #tpu.memory_space<semaphore_mem>>) src(%dma_wait3A_100 : memref<576xi32, #tpu.memory_space<hbm>>) dst(%arg5 : memref<576xi32, #tpu.memory_space<vmem>>)
      tpu.yield
    }) : () -> ()
    %dma_start3A = arith.constant 0 : i32
    %dma_start3A_3 = arith.constant 0 : i32
    %dma_start3A_4 = tpu.memref_slice %arg6[%dma_start3A, %dma_start3A_3] : memref<576x128xf32, #tpu.memory_space<vmem>> -> memref<96x128xf32, #tpu.memory_space<vmem>>
    %dma_start3A_5 = arith.constant 0 : i32
    %dma_start3A_6 = tpu.memref_slice %arg5[%dma_start3A_5] : memref<576xi32, #tpu.memory_space<vmem>> -> memref<96xi32, #tpu.memory_space<vmem>>
    %dma_start3A_7 = arith.constant 0 : i32
    %dma_start3A_8 = arith.constant 0 : i32
    %dma_start3A_9 = tpu.memref_slice %arg2[%dma_start3A_7, %dma_start3A_8] : memref<1024x128xf32, #tpu.memory_space<hbm>> -> memref<1024x128xf32, #tpu.memory_space<hbm>>
    tpu.enqueue_indirect_dma source(%dma_start3A_9 : memref<1024x128xf32, #tpu.memory_space<hbm>>) target(%dma_start3A_4 : memref<96x128xf32, #tpu.memory_space<vmem>>) offsets(%dma_start3A_6 : memref<96xi32, #tpu.memory_space<vmem>>) semaphore(%arg7 : memref<!tpu.dma_semaphore, #tpu.memory_space<semaphore_mem>>)
    %dma_start3A_10 = arith.constant 96 : i32
    %dma_start3A_11 = arith.constant 0 : i32
    %dma_start3A_12 = tpu.memref_slice %arg6[%dma_start3A_10, %dma_start3A_11] : memref<576x128xf32, #tpu.memory_space<vmem>> -> memref<96x128xf32, #tpu.memory_space<vmem>>
    %dma_start3A_13 = arith.constant 96 : i32
    %dma_start3A_14 = tpu.memref_slice %arg5[%dma_start3A_13] : memref<576xi32, #tpu.memory_space<vmem>> -> memref<96xi32, #tpu.memory_space<vmem>>
    %dma_start3A_15 = arith.constant 0 : i32
    %dma_start3A_16 = arith.constant 0 : i32
    %dma_start3A_17 = tpu.memref_slice %arg2[%dma_start3A_15, %dma_start3A_16] : memref<1024x128xf32, #tpu.memory_space<hbm>> -> memref<1024x128xf32, #tpu.memory_space<hbm>>
    tpu.enqueue_indirect_dma source(%dma_start3A_17 : memref<1024x128xf32, #tpu.memory_space<hbm>>) target(%dma_start3A_12 : memref<96x128xf32, #tpu.memory_space<vmem>>) offsets(%dma_start3A_14 : memref<96xi32, #tpu.memory_space<vmem>>) semaphore(%arg7 : memref<!tpu.dma_semaphore, #tpu.memory_space<semaphore_mem>>)
    %dma_start3A_18 = arith.constant 192 : i32
    %dma_start3A_19 = arith.constant 0 : i32
    %dma_start3A_20 = tpu.memref_slice %arg6[%dma_start3A_18, %dma_start3A_19] : memref<576x128xf32, #tpu.memory_space<vmem>> -> memref<96x128xf32, #tpu.memory_space<vmem>>
    %dma_start3A_21 = arith.constant 192 : i32
    %dma_start3A_22 = tpu.memref_slice %arg5[%dma_start3A_21] : memref<576xi32, #tpu.memory_space<vmem>> -> memref<96xi32, #tpu.memory_space<vmem>>
    %dma_start3A_23 = arith.constant 0 : i32
    %dma_start3A_24 = arith.constant 0 : i32
    %dma_start3A_25 = tpu.memref_slice %arg2[%dma_start3A_23, %dma_start3A_24] : memref<1024x128xf32, #tpu.memory_space<hbm>> -> memref<1024x128xf32, #tpu.memory_space<hbm>>
    tpu.enqueue_indirect_dma source(%dma_start3A_25 : memref<1024x128xf32, #tpu.memory_space<hbm>>) target(%dma_start3A_20 : memref<96x128xf32, #tpu.memory_space<vmem>>) offsets(%dma_start3A_22 : memref<96xi32, #tpu.memory_space<vmem>>) semaphore(%arg7 : memref<!tpu.dma_semaphore, #tpu.memory_space<semaphore_mem>>)
    %dma_start3A_26 = arith.constant 288 : i32
    %dma_start3A_27 = arith.constant 0 : i32
    %dma_start3A_28 = tpu.memref_slice %arg6[%dma_start3A_26, %dma_start3A_27] : memref<576x128xf32, #tpu.memory_space<vmem>> -> memref<96x128xf32, #tpu.memory_space<vmem>>
    %dma_start3A_29 = arith.constant 288 : i32
    %dma_start3A_30 = tpu.memref_slice %arg5[%dma_start3A_29] : memref<576xi32, #tpu.memory_space<vmem>> -> memref<96xi32, #tpu.memory_space<vmem>>
    %dma_start3A_31 = arith.constant 0 : i32
    %dma_start3A_32 = arith.constant 0 : i32
    %dma_start3A_33 = tpu.memref_slice %arg2[%dma_start3A_31, %dma_start3A_32] : memref<1024x128xf32, #tpu.memory_space<hbm>> -> memref<1024x128xf32, #tpu.memory_space<hbm>>
    tpu.enqueue_indirect_dma source(%dma_start3A_33 : memref<1024x128xf32, #tpu.memory_space<hbm>>) target(%dma_start3A_28 : memref<96x128xf32, #tpu.memory_space<vmem>>) offsets(%dma_start3A_30 : memref<96xi32, #tpu.memory_space<vmem>>) semaphore(%arg7 : memref<!tpu.dma_semaphore, #tpu.memory_space<semaphore_mem>>)
    %dma_start3A_34 = arith.constant 384 : i32
    %dma_start3A_35 = arith.constant 0 : i32
    %dma_start3A_36 = tpu.memref_slice %arg6[%dma_start3A_34, %dma_start3A_35] : memref<576x128xf32, #tpu.memory_space<vmem>> -> memref<96x128xf32, #tpu.memory_space<vmem>>
    %dma_start3A_37 = arith.constant 384 : i32
    %dma_start3A_38 = tpu.memref_slice %arg5[%dma_start3A_37] : memref<576xi32, #tpu.memory_space<vmem>> -> memref<96xi32, #tpu.memory_space<vmem>>
    %dma_start3A_39 = arith.constant 0 : i32
    %dma_start3A_40 = arith.constant 0 : i32
    %dma_start3A_41 = tpu.memref_slice %arg2[%dma_start3A_39, %dma_start3A_40] : memref<1024x128xf32, #tpu.memory_space<hbm>> -> memref<1024x128xf32, #tpu.memory_space<hbm>>
    tpu.enqueue_indirect_dma source(%dma_start3A_41 : memref<1024x128xf32, #tpu.memory_space<hbm>>) target(%dma_start3A_36 : memref<96x128xf32, #tpu.memory_space<vmem>>) offsets(%dma_start3A_38 : memref<96xi32, #tpu.memory_space<vmem>>) semaphore(%arg7 : memref<!tpu.dma_semaphore, #tpu.memory_space<semaphore_mem>>)
    %dma_start3A_42 = arith.constant 480 : i32
    %dma_start3A_43 = arith.constant 0 : i32
    %dma_start3A_44 = tpu.memref_slice %arg6[%dma_start3A_42, %dma_start3A_43] : memref<576x128xf32, #tpu.memory_space<vmem>> -> memref<96x128xf32, #tpu.memory_space<vmem>>
    %dma_start3A_45 = arith.constant 480 : i32
    %dma_start3A_46 = tpu.memref_slice %arg5[%dma_start3A_45] : memref<576xi32, #tpu.memory_space<vmem>> -> memref<96xi32, #tpu.memory_space<vmem>>
    %dma_start3A_47 = arith.constant 0 : i32
    %dma_start3A_48 = arith.constant 0 : i32
    %dma_start3A_49 = tpu.memref_slice %arg2[%dma_start3A_47, %dma_start3A_48] : memref<1024x128xf32, #tpu.memory_space<hbm>> -> memref<1024x128xf32, #tpu.memory_space<hbm>>
    tpu.enqueue_indirect_dma source(%dma_start3A_49 : memref<1024x128xf32, #tpu.memory_space<hbm>>) target(%dma_start3A_44 : memref<96x128xf32, #tpu.memory_space<vmem>>) offsets(%dma_start3A_46 : memref<96xi32, #tpu.memory_space<vmem>>) semaphore(%arg7 : memref<!tpu.dma_semaphore, #tpu.memory_space<semaphore_mem>>)
    %dma_wait3A = arith.constant 0 : i32
    %dma_wait3A_50 = arith.constant 0 : i32
    %dma_wait3A_51 = tpu.memref_slice %arg6[%dma_wait3A, %dma_wait3A_50] : memref<576x128xf32, #tpu.memory_space<vmem>> -> memref<96x128xf32, #tpu.memory_space<vmem>>
    %dma_wait3A_52 = arith.constant 0 : i32
    %dma_wait3A_53 = tpu.memref_slice %arg5[%dma_wait3A_52] : memref<576xi32, #tpu.memory_space<vmem>> -> memref<96xi32, #tpu.memory_space<vmem>>
    %dma_wait3A_54 = arith.constant 0 : i32
    %dma_wait3A_55 = arith.constant 0 : i32
    %dma_wait3A_56 = tpu.memref_slice %arg2[%dma_wait3A_54, %dma_wait3A_55] : memref<1024x128xf32, #tpu.memory_space<hbm>> -> memref<1024x128xf32, #tpu.memory_space<hbm>>
    tpu.wait_indirect_dma semaphore(%arg7 : memref<!tpu.dma_semaphore, #tpu.memory_space<semaphore_mem>>) src(%dma_wait3A_56 : memref<1024x128xf32, #tpu.memory_space<hbm>>) dst(%dma_wait3A_51 : memref<96x128xf32, #tpu.memory_space<vmem>>)
    %dma_wait3A_57 = arith.constant 96 : i32
    %dma_wait3A_58 = arith.constant 0 : i32
    %dma_wait3A_59 = tpu.memref_slice %arg6[%dma_wait3A_57, %dma_wait3A_58] : memref<576x128xf32, #tpu.memory_space<vmem>> -> memref<96x128xf32, #tpu.memory_space<vmem>>
    %dma_wait3A_60 = arith.constant 96 : i32
    %dma_wait3A_61 = tpu.memref_slice %arg5[%dma_wait3A_60] : memref<576xi32, #tpu.memory_space<vmem>> -> memref<96xi32, #tpu.memory_space<vmem>>
    %dma_wait3A_62 = arith.constant 0 : i32
    %dma_wait3A_63 = arith.constant 0 : i32
    %dma_wait3A_64 = tpu.memref_slice %arg2[%dma_wait3A_62, %dma_wait3A_63] : memref<1024x128xf32, #tpu.memory_space<hbm>> -> memref<1024x128xf32, #tpu.memory_space<hbm>>
    tpu.wait_indirect_dma semaphore(%arg7 : memref<!tpu.dma_semaphore, #tpu.memory_space<semaphore_mem>>) src(%dma_wait3A_64 : memref<1024x128xf32, #tpu.memory_space<hbm>>) dst(%dma_wait3A_59 : memref<96x128xf32, #tpu.memory_space<vmem>>)
    %dma_wait3A_65 = arith.constant 192 : i32
    %dma_wait3A_66 = arith.constant 0 : i32
    %dma_wait3A_67 = tpu.memref_slice %arg6[%dma_wait3A_65, %dma_wait3A_66] : memref<576x128xf32, #tpu.memory_space<vmem>> -> memref<96x128xf32, #tpu.memory_space<vmem>>
    %dma_wait3A_68 = arith.constant 192 : i32
    %dma_wait3A_69 = tpu.memref_slice %arg5[%dma_wait3A_68] : memref<576xi32, #tpu.memory_space<vmem>> -> memref<96xi32, #tpu.memory_space<vmem>>
    %dma_wait3A_70 = arith.constant 0 : i32
    %dma_wait3A_71 = arith.constant 0 : i32
    %dma_wait3A_72 = tpu.memref_slice %arg2[%dma_wait3A_70, %dma_wait3A_71] : memref<1024x128xf32, #tpu.memory_space<hbm>> -> memref<1024x128xf32, #tpu.memory_space<hbm>>
    tpu.wait_indirect_dma semaphore(%arg7 : memref<!tpu.dma_semaphore, #tpu.memory_space<semaphore_mem>>) src(%dma_wait3A_72 : memref<1024x128xf32, #tpu.memory_space<hbm>>) dst(%dma_wait3A_67 : memref<96x128xf32, #tpu.memory_space<vmem>>)
    %dma_wait3A_73 = arith.constant 288 : i32
    %dma_wait3A_74 = arith.constant 0 : i32
    %dma_wait3A_75 = tpu.memref_slice %arg6[%dma_wait3A_73, %dma_wait3A_74] : memref<576x128xf32, #tpu.memory_space<vmem>> -> memref<96x128xf32, #tpu.memory_space<vmem>>
    %dma_wait3A_76 = arith.constant 288 : i32
    %dma_wait3A_77 = tpu.memref_slice %arg5[%dma_wait3A_76] : memref<576xi32, #tpu.memory_space<vmem>> -> memref<96xi32, #tpu.memory_space<vmem>>
    %dma_wait3A_78 = arith.constant 0 : i32
    %dma_wait3A_79 = arith.constant 0 : i32
    %dma_wait3A_80 = tpu.memref_slice %arg2[%dma_wait3A_78, %dma_wait3A_79] : memref<1024x128xf32, #tpu.memory_space<hbm>> -> memref<1024x128xf32, #tpu.memory_space<hbm>>
    tpu.wait_indirect_dma semaphore(%arg7 : memref<!tpu.dma_semaphore, #tpu.memory_space<semaphore_mem>>) src(%dma_wait3A_80 : memref<1024x128xf32, #tpu.memory_space<hbm>>) dst(%dma_wait3A_75 : memref<96x128xf32, #tpu.memory_space<vmem>>)
    %dma_wait3A_81 = arith.constant 384 : i32
    %dma_wait3A_82 = arith.constant 0 : i32
    %dma_wait3A_83 = tpu.memref_slice %arg6[%dma_wait3A_81, %dma_wait3A_82] : memref<576x128xf32, #tpu.memory_space<vmem>> -> memref<96x128xf32, #tpu.memory_space<vmem>>
    %dma_wait3A_84 = arith.constant 384 : i32
    %dma_wait3A_85 = tpu.memref_slice %arg5[%dma_wait3A_84] : memref<576xi32, #tpu.memory_space<vmem>> -> memref<96xi32, #tpu.memory_space<vmem>>
    %dma_wait3A_86 = arith.constant 0 : i32
    %dma_wait3A_87 = arith.constant 0 : i32
    %dma_wait3A_88 = tpu.memref_slice %arg2[%dma_wait3A_86, %dma_wait3A_87] : memref<1024x128xf32, #tpu.memory_space<hbm>> -> memref<1024x128xf32, #tpu.memory_space<hbm>>
    tpu.wait_indirect_dma semaphore(%arg7 : memref<!tpu.dma_semaphore, #tpu.memory_space<semaphore_mem>>) src(%dma_wait3A_88 : memref<1024x128xf32, #tpu.memory_space<hbm>>) dst(%dma_wait3A_83 : memref<96x128xf32, #tpu.memory_space<vmem>>)
    %dma_wait3A_89 = arith.constant 480 : i32
    %dma_wait3A_90 = arith.constant 0 : i32
    %dma_wait3A_91 = tpu.memref_slice %arg6[%dma_wait3A_89, %dma_wait3A_90] : memref<576x128xf32, #tpu.memory_space<vmem>> -> memref<96x128xf32, #tpu.memory_space<vmem>>
    %dma_wait3A_92 = arith.constant 480 : i32
    %dma_wait3A_93 = tpu.memref_slice %arg5[%dma_wait3A_92] : memref<576xi32, #tpu.memory_space<vmem>> -> memref<96xi32, #tpu.memory_space<vmem>>
    %dma_wait3A_94 = arith.constant 0 : i32
    %dma_wait3A_95 = arith.constant 0 : i32
    %dma_wait3A_96 = tpu.memref_slice %arg2[%dma_wait3A_94, %dma_wait3A_95] : memref<1024x128xf32, #tpu.memory_space<hbm>> -> memref<1024x128xf32, #tpu.memory_space<hbm>>
    tpu.wait_indirect_dma semaphore(%arg7 : memref<!tpu.dma_semaphore, #tpu.memory_space<semaphore_mem>>) src(%dma_wait3A_96 : memref<1024x128xf32, #tpu.memory_space<hbm>>) dst(%dma_wait3A_91 : memref<96x128xf32, #tpu.memory_space<vmem>>)
    "tpu.region"() ({
      %run_scoped3A = tpu.sem_alloc : memref<!tpu.dma_semaphore, #tpu.memory_space<semaphore_mem>>
      %dma_start3A_97 = arith.constant 0 : i32
      %dma_start3A_98 = tpu.memref_slice %arg4[%mul3A_2, %dma_start3A_97] : memref<18432x128xf32, #tpu.memory_space<hbm>> -> memref<576x128xf32, #tpu.memory_space<hbm>>
      %dma_start3A_99 = arith.constant 0 : i32
      %dma_start3A_100 = tpu.memref_slice %arg4[%mul3A_2, %dma_start3A_99] : memref<18432x128xf32, #tpu.memory_space<hbm>> -> memref<576x128xf32, #tpu.memory_space<hbm>>
      tpu.enqueue_dma source(%arg6 : memref<576x128xf32, #tpu.memory_space<vmem>>) target(%dma_start3A_100 : memref<576x128xf32, #tpu.memory_space<hbm>>) target_semaphore(%run_scoped3A : memref<!tpu.dma_semaphore, #tpu.memory_space<semaphore_mem>>)
      %dma_wait3A_101 = arith.constant 0 : i32
      %dma_wait3A_102 = tpu.memref_slice %arg4[%mul3A_2, %dma_wait3A_101] : memref<18432x128xf32, #tpu.memory_space<hbm>> -> memref<576x128xf32, #tpu.memory_space<hbm>>
      %dma_wait3A_103 = arith.constant 0 : i32
      %dma_wait3A_104 = tpu.memref_slice %arg4[%mul3A_2, %dma_wait3A_103] : memref<18432x128xf32, #tpu.memory_space<hbm>> -> memref<576x128xf32, #tpu.memory_space<hbm>>
      tpu.wait_dma2 semaphore(%run_scoped3A : memref<!tpu.dma_semaphore, #tpu.memory_space<semaphore_mem>>) src(%arg6 : memref<576x128xf32, #tpu.memory_space<vmem>>) dst(%dma_wait3A_104 : memref<576x128xf32, #tpu.memory_space<hbm>>)
      tpu.yield
    }) : () -> ()
    return
  }
}

module attributes {stable_mosaic.version = 14 : i64} {
  func.func @_vq_kernel(%arg0: i32, %arg1: memref<8x64x576xf32, #tpu.memory_space<vmem>>, %arg2: memref<1024x64xf32, #tpu.memory_space<vmem>>, %arg3: memref<1024x64xf32, #tpu.memory_space<vmem>>, %arg4: memref<1024x8xbf16, #tpu.memory_space<vmem>>, %arg5: memref<8x1x576xi32, #tpu.memory_space<vmem>>, %arg6: memref<1x1xf32, #tpu.memory_space<vmem>>, %arg7: memref<1024x72xbf16, #tpu.memory_space<vmem>>) attributes {dimension_semantics = [#tpu.dimension_semantics<arbitrary>], iteration_bounds = array<i64: 4>, scalar_prefetch = 0 : i64, scratch_operands = 1 : i64, tpu.core_type = #tpu.core_type<tc>, window_params = [{transform_indices = @transform_0, window_bounds = array<i64: 8, 64, 576>}, {pipeline_mode = #tpu.pipeline_mode<synchronous>, transform_indices = @transform_1, window_bounds = array<i64: 1024, 64>}, {pipeline_mode = #tpu.pipeline_mode<synchronous>, transform_indices = @transform_2, window_bounds = array<i64: 1024, 64>}, {pipeline_mode = #tpu.pipeline_mode<synchronous>, transform_indices = @transform_3, window_bounds = array<i64: 1024, 8>}, {transform_indices = @transform_4, window_bounds = array<i64: 8, 1, 576>}, {pipeline_mode = #tpu.pipeline_mode<synchronous>, transform_indices = @transform_5, window_bounds = array<i64: 1, 1>}]} {
    %eq3A = arith.constant 0 : i32
    %eq3A_0 = arith.cmpi eq, %arg0, %eq3A : i32
    %convert_element_type3A = arith.extui %eq3A_0 : i1 to i32
    %cond3A = arith.constant 0 : i32
    %cond3A_1 = arith.cmpi ne, %convert_element_type3A, %cond3A : i32
    scf.if %cond3A_1 {
      %broadcast_in_dim3A_148 = arith.constant 0.000000e+00 : f32
      %broadcast_in_dim3A_149 = vector.broadcast %broadcast_in_dim3A_148 : f32 to vector<1x1xf32>
      %swap3A_150 = arith.constant 0 : index
      %swap3A_151 = arith.constant 0 : index
      %swap3A_152 = vector.load %arg6[%swap3A_150, %swap3A_151] : memref<1x1xf32, #tpu.memory_space<vmem>>, vector<1x1xf32>
      tpu.vector_store %arg6[%swap3A_150, %swap3A_151], %broadcast_in_dim3A_149 {strides = array<i32>} : memref<1x1xf32, #tpu.memory_space<vmem>>, vector<1x1xf32>,
      %get3A_153 = arith.constant 0 : index
      %get3A_154 = arith.constant 0 : index
      %get3A_155 = vector.load %arg3[%get3A_153, %get3A_154] : memref<1024x64xf32, #tpu.memory_space<vmem>>, vector<1024x64xf32>
      %convert_element_type3A_156 = arith.truncf %get3A_155 : vector<1024x64xf32> to vector<1024x64xbf16>
      %swap3A_157 = arith.constant 0 : index
      %swap3A_158 = arith.constant 0 : index
      %swap3A_159 = vector.load %arg7[%swap3A_157, %swap3A_158] : memref<1024x72xbf16, #tpu.memory_space<vmem>>, vector<1024x64xbf16>
      tpu.vector_store %arg7[%swap3A_157, %swap3A_158], %convert_element_type3A_156 {strides = array<i32>} : memref<1024x72xbf16, #tpu.memory_space<vmem>>, vector<1024x64xbf16>,
      %get3A_160 = arith.constant 0 : index
      %get3A_161 = arith.constant 0 : index
      %get3A_162 = vector.load %arg4[%get3A_160, %get3A_161] : memref<1024x8xbf16, #tpu.memory_space<vmem>>, vector<1024x8xbf16>
      %swap3A_163 = arith.constant 0 : index
      %swap3A_164 = arith.constant 64 : index
      %swap3A_165 = vector.load %arg7[%swap3A_163, %swap3A_164] : memref<1024x72xbf16, #tpu.memory_space<vmem>>, vector<1024x8xbf16>
      tpu.vector_store %arg7[%swap3A_163, %swap3A_164], %get3A_162 {strides = array<i32>} : memref<1024x72xbf16, #tpu.memory_space<vmem>>, vector<1024x8xbf16>,
    } else {
    }
    %get3A = arith.constant 0 : index
    %get3A_2 = arith.constant 0 : index
    %get3A_3 = arith.constant 0 : index
    %get3A_4 = vector.load %arg1[%get3A, %get3A_2, %get3A_3] : memref<8x64x576xf32, #tpu.memory_space<vmem>>, vector<1x64x576xf32>
    %get3A_5 = vector.shape_cast %get3A_4 : vector<1x64x576xf32> to vector<64x576xf32>
    %get3A_6 = arith.constant 1 : index
    %get3A_7 = arith.constant 0 : index
    %get3A_8 = arith.constant 0 : index
    %get3A_9 = vector.load %arg1[%get3A_6, %get3A_7, %get3A_8] : memref<8x64x576xf32, #tpu.memory_space<vmem>>, vector<1x64x576xf32>
    %get3A_10 = vector.shape_cast %get3A_9 : vector<1x64x576xf32> to vector<64x576xf32>
    %get3A_11 = arith.constant 2 : index
    %get3A_12 = arith.constant 0 : index
    %get3A_13 = arith.constant 0 : index
    %get3A_14 = vector.load %arg1[%get3A_11, %get3A_12, %get3A_13] : memref<8x64x576xf32, #tpu.memory_space<vmem>>, vector<1x64x576xf32>
    %get3A_15 = vector.shape_cast %get3A_14 : vector<1x64x576xf32> to vector<64x576xf32>
    %get3A_16 = arith.constant 3 : index
    %get3A_17 = arith.constant 0 : index
    %get3A_18 = arith.constant 0 : index
    %get3A_19 = vector.load %arg1[%get3A_16, %get3A_17, %get3A_18] : memref<8x64x576xf32, #tpu.memory_space<vmem>>, vector<1x64x576xf32>
    %get3A_20 = vector.shape_cast %get3A_19 : vector<1x64x576xf32> to vector<64x576xf32>
    %get3A_21 = arith.constant 4 : index
    %get3A_22 = arith.constant 0 : index
    %get3A_23 = arith.constant 0 : index
    %get3A_24 = vector.load %arg1[%get3A_21, %get3A_22, %get3A_23] : memref<8x64x576xf32, #tpu.memory_space<vmem>>, vector<1x64x576xf32>
    %get3A_25 = vector.shape_cast %get3A_24 : vector<1x64x576xf32> to vector<64x576xf32>
    %get3A_26 = arith.constant 5 : index
    %get3A_27 = arith.constant 0 : index
    %get3A_28 = arith.constant 0 : index
    %get3A_29 = vector.load %arg1[%get3A_26, %get3A_27, %get3A_28] : memref<8x64x576xf32, #tpu.memory_space<vmem>>, vector<1x64x576xf32>
    %get3A_30 = vector.shape_cast %get3A_29 : vector<1x64x576xf32> to vector<64x576xf32>
    %get3A_31 = arith.constant 6 : index
    %get3A_32 = arith.constant 0 : index
    %get3A_33 = arith.constant 0 : index
    %get3A_34 = vector.load %arg1[%get3A_31, %get3A_32, %get3A_33] : memref<8x64x576xf32, #tpu.memory_space<vmem>>, vector<1x64x576xf32>
    %get3A_35 = vector.shape_cast %get3A_34 : vector<1x64x576xf32> to vector<64x576xf32>
    %get3A_36 = arith.constant 7 : index
    %get3A_37 = arith.constant 0 : index
    %get3A_38 = arith.constant 0 : index
    %get3A_39 = vector.load %arg1[%get3A_36, %get3A_37, %get3A_38] : memref<8x64x576xf32, #tpu.memory_space<vmem>>, vector<1x64x576xf32>
    %get3A_40 = vector.shape_cast %get3A_39 : vector<1x64x576xf32> to vector<64x576xf32>
    %concatenate3A = tpu.concatenate %get3A_5, %get3A_10, %get3A_15, %get3A_20, %get3A_25, %get3A_30, %get3A_35, %get3A_40 in 1 : vector<64x576xf32>, vector<64x576xf32>, vector<64x576xf32>, vector<64x576xf32>, vector<64x576xf32>, vector<64x576xf32>, vector<64x576xf32>, vector<64x576xf32> -> vector<64x4608xf32>
    %get3A_41 = arith.constant 0 : index
    %get3A_42 = arith.constant 0 : index
    %get3A_43 = vector.load %arg2[%get3A_41, %get3A_42] : memref<1024x64xf32, #tpu.memory_space<vmem>>, vector<1024x64xf32>
    %mul3A = arith.mulf %concatenate3A, %concatenate3A : vector<64x4608xf32>
    %reduce_sum3A = arith.constant dense<0.000000e+00> : vector<4608xf32>
    %reduce_sum3A_44 = vector.multi_reduction <add>, %mul3A, %reduce_sum3A [0] : vector<64x4608xf32> to vector<4608xf32>
    %broadcast_in_dim3A = vector.shape_cast %reduce_sum3A_44 : vector<4608xf32> to vector<1x4608xf32>
    %sqrt3A = math.sqrt %broadcast_in_dim3A : vector<1x4608xf32>
    %max3A = arith.constant 9.99999996E-13 : f32
    %max3A_45 = vector.broadcast %max3A : f32 to vector<1x4608xf32>
    %max3A_46 = arith.maximumf %sqrt3A, %max3A_45 : vector<1x4608xf32>
    %div3A = vector.broadcast %max3A_46 : vector<1x4608xf32> to vector<64x4608xf32>
    %div3A_47 = arith.divf %concatenate3A, %div3A : vector<64x4608xf32>
    %dot_general3A = arith.constant dense<0.000000e+00> : vector<1024x4608xf32>
    %dot_general3A_48 = tpu.matmul %get3A_43, %div3A_47, %dot_general3A {dimension_numbers = #tpu.dot_dimension_numbers<[1], [0], [0], [1], [0, 0, 1, 1], [], []>, transpose_lhs_hint = false} : vector<1024x64xf32>, vector<64x4608xf32>, vector<1024x4608xf32> -> vector<1024x4608xf32>
    %reduce_max3A = arith.constant dense<0xFF800000> : vector<4608xf32>
    %reduce_max3A_49 = vector.multi_reduction <maximumf>, %dot_general3A_48, %reduce_max3A [0] : vector<1024x4608xf32> to vector<4608xf32>
    %broadcast_in_dim3A_50 = vector.shape_cast %reduce_max3A_49 : vector<4608xf32> to vector<1x4608xf32>
    %ge3A = vector.broadcast %broadcast_in_dim3A_50 : vector<1x4608xf32> to vector<1024x4608xf32>
    %ge3A_51 = arith.cmpf oge, %dot_general3A_48, %ge3A : vector<1024x4608xf32>
    %convert_element_type3A_52 = arith.extui %ge3A_51 : vector<1024x4608xi1> to vector<1024x4608xi32>
    %convert_element_type3A_53 = arith.sitofp %convert_element_type3A_52 : vector<1024x4608xi32> to vector<1024x4608xf32>
    %convert_element_type3A_54 = arith.truncf %convert_element_type3A_53 : vector<1024x4608xf32> to vector<1024x4608xbf16>
    %get3A_55 = arith.constant 0 : index
    %get3A_56 = arith.constant 0 : index
    %get3A_57 = vector.load %arg7[%get3A_55, %get3A_56] : memref<1024x72xbf16, #tpu.memory_space<vmem>>, vector<1024x72xbf16>
    %dot_general3A_58 = arith.constant dense<0.000000e+00> : vector<72x4608xf32>
    %dot_general3A_59 = tpu.matmul %get3A_57, %convert_element_type3A_54, %dot_general3A_58 {dimension_numbers = #tpu.dot_dimension_numbers<[0], [0], [1], [1], [0, 1, 1, 1], [], []>, transpose_lhs_hint = false} : vector<1024x72xbf16>, vector<1024x4608xbf16>, vector<72x4608xf32> -> vector<72x4608xf32>
    %slice3A = vector.extract_strided_slice %dot_general3A_59 {offsets = [64, 0], sizes = [1, 4608], strides = [1, 1]} : vector<72x4608xf32> to vector<1x4608xf32>
    %squeeze3A = vector.shape_cast %slice3A : vector<1x4608xf32> to vector<4608xf32>
    %mul3A_60 = arith.constant 3.200000e+01 : f32
    %mul3A_61 = vector.broadcast %mul3A_60 : f32 to vector<4608xf32>
    %mul3A_62 = arith.mulf %squeeze3A, %mul3A_61 : vector<4608xf32>
    %slice3A_63 = vector.extract_strided_slice %dot_general3A_59 {offsets = [65, 0], sizes = [1, 4608], strides = [1, 1]} : vector<72x4608xf32> to vector<1x4608xf32>
    %squeeze3A_64 = vector.shape_cast %slice3A_63 : vector<1x4608xf32> to vector<4608xf32>
    %add3A = arith.addf %mul3A_62, %squeeze3A_64 : vector<4608xf32>
    %slice3A_65 = vector.extract_strided_slice %dot_general3A_59 {offsets = [66, 0], sizes = [1, 4608], strides = [1, 1]} : vector<72x4608xf32> to vector<1x4608xf32>
    %squeeze3A_66 = vector.shape_cast %slice3A_65 : vector<1x4608xf32> to vector<4608xf32>
    %convert_element_type3A_67 = arith.fptosi %add3A : vector<4608xf32> to vector<4608xi32>
    %slice3A_68 = vector.extract_strided_slice %convert_element_type3A_67 {offsets = [0], sizes = [576], strides = [1]} : vector<4608xi32> to vector<576xi32>
    %swap3A = arith.constant 0 : index
    %swap3A_69 = arith.constant 0 : index
    %swap3A_70 = arith.constant 0 : index
    %swap3A_71 = vector.load %arg5[%swap3A, %swap3A_69, %swap3A_70] : memref<8x1x576xi32, #tpu.memory_space<vmem>>, vector<1x1x576xi32>
    %swap3A_72 = vector.shape_cast %swap3A_71 : vector<1x1x576xi32> to vector<576xi32>
    %swap3A_73 = vector.shape_cast %slice3A_68 : vector<576xi32> to vector<1x1x576xi32>
    tpu.vector_store %arg5[%swap3A, %swap3A_69, %swap3A_70], %swap3A_73 {strides = array<i32>} : memref<8x1x576xi32, #tpu.memory_space<vmem>>, vector<1x1x576xi32>,
    %slice3A_74 = vector.extract_strided_slice %convert_element_type3A_67 {offsets = [576], sizes = [576], strides = [1]} : vector<4608xi32> to vector<576xi32>
    %swap3A_75 = arith.constant 1 : index
    %swap3A_76 = arith.constant 0 : index
    %swap3A_77 = arith.constant 0 : index
    %swap3A_78 = vector.load %arg5[%swap3A_75, %swap3A_76, %swap3A_77] : memref<8x1x576xi32, #tpu.memory_space<vmem>>, vector<1x1x576xi32>
    %swap3A_79 = vector.shape_cast %swap3A_78 : vector<1x1x576xi32> to vector<576xi32>
    %swap3A_80 = vector.shape_cast %slice3A_74 : vector<576xi32> to vector<1x1x576xi32>
    tpu.vector_store %arg5[%swap3A_75, %swap3A_76, %swap3A_77], %swap3A_80 {strides = array<i32>} : memref<8x1x576xi32, #tpu.memory_space<vmem>>, vector<1x1x576xi32>,
    %slice3A_81 = vector.extract_strided_slice %convert_element_type3A_67 {offsets = [1152], sizes = [576], strides = [1]} : vector<4608xi32> to vector<576xi32>
    %swap3A_82 = arith.constant 2 : index
    %swap3A_83 = arith.constant 0 : index
    %swap3A_84 = arith.constant 0 : index
    %swap3A_85 = vector.load %arg5[%swap3A_82, %swap3A_83, %swap3A_84] : memref<8x1x576xi32, #tpu.memory_space<vmem>>, vector<1x1x576xi32>
    %swap3A_86 = vector.shape_cast %swap3A_85 : vector<1x1x576xi32> to vector<576xi32>
    %swap3A_87 = vector.shape_cast %slice3A_81 : vector<576xi32> to vector<1x1x576xi32>
    tpu.vector_store %arg5[%swap3A_82, %swap3A_83, %swap3A_84], %swap3A_87 {strides = array<i32>} : memref<8x1x576xi32, #tpu.memory_space<vmem>>, vector<1x1x576xi32>,
    %slice3A_88 = vector.extract_strided_slice %convert_element_type3A_67 {offsets = [1728], sizes = [576], strides = [1]} : vector<4608xi32> to vector<576xi32>
    %swap3A_89 = arith.constant 3 : index
    %swap3A_90 = arith.constant 0 : index
    %swap3A_91 = arith.constant 0 : index
    %swap3A_92 = vector.load %arg5[%swap3A_89, %swap3A_90, %swap3A_91] : memref<8x1x576xi32, #tpu.memory_space<vmem>>, vector<1x1x576xi32>
    %swap3A_93 = vector.shape_cast %swap3A_92 : vector<1x1x576xi32> to vector<576xi32>
    %swap3A_94 = vector.shape_cast %slice3A_88 : vector<576xi32> to vector<1x1x576xi32>
    tpu.vector_store %arg5[%swap3A_89, %swap3A_90, %swap3A_91], %swap3A_94 {strides = array<i32>} : memref<8x1x576xi32, #tpu.memory_space<vmem>>, vector<1x1x576xi32>,
    %slice3A_95 = vector.extract_strided_slice %convert_element_type3A_67 {offsets = [2304], sizes = [576], strides = [1]} : vector<4608xi32> to vector<576xi32>
    %swap3A_96 = arith.constant 4 : index
    %swap3A_97 = arith.constant 0 : index
    %swap3A_98 = arith.constant 0 : index
    %swap3A_99 = vector.load %arg5[%swap3A_96, %swap3A_97, %swap3A_98] : memref<8x1x576xi32, #tpu.memory_space<vmem>>, vector<1x1x576xi32>
    %swap3A_100 = vector.shape_cast %swap3A_99 : vector<1x1x576xi32> to vector<576xi32>
    %swap3A_101 = vector.shape_cast %slice3A_95 : vector<576xi32> to vector<1x1x576xi32>
    tpu.vector_store %arg5[%swap3A_96, %swap3A_97, %swap3A_98], %swap3A_101 {strides = array<i32>} : memref<8x1x576xi32, #tpu.memory_space<vmem>>, vector<1x1x576xi32>,
    %slice3A_102 = vector.extract_strided_slice %convert_element_type3A_67 {offsets = [2880], sizes = [576], strides = [1]} : vector<4608xi32> to vector<576xi32>
    %swap3A_103 = arith.constant 5 : index
    %swap3A_104 = arith.constant 0 : index
    %swap3A_105 = arith.constant 0 : index
    %swap3A_106 = vector.load %arg5[%swap3A_103, %swap3A_104, %swap3A_105] : memref<8x1x576xi32, #tpu.memory_space<vmem>>, vector<1x1x576xi32>
    %swap3A_107 = vector.shape_cast %swap3A_106 : vector<1x1x576xi32> to vector<576xi32>
    %swap3A_108 = vector.shape_cast %slice3A_102 : vector<576xi32> to vector<1x1x576xi32>
    tpu.vector_store %arg5[%swap3A_103, %swap3A_104, %swap3A_105], %swap3A_108 {strides = array<i32>} : memref<8x1x576xi32, #tpu.memory_space<vmem>>, vector<1x1x576xi32>,
    %slice3A_109 = vector.extract_strided_slice %convert_element_type3A_67 {offsets = [3456], sizes = [576], strides = [1]} : vector<4608xi32> to vector<576xi32>
    %swap3A_110 = arith.constant 6 : index
    %swap3A_111 = arith.constant 0 : index
    %swap3A_112 = arith.constant 0 : index
    %swap3A_113 = vector.load %arg5[%swap3A_110, %swap3A_111, %swap3A_112] : memref<8x1x576xi32, #tpu.memory_space<vmem>>, vector<1x1x576xi32>
    %swap3A_114 = vector.shape_cast %swap3A_113 : vector<1x1x576xi32> to vector<576xi32>
    %swap3A_115 = vector.shape_cast %slice3A_109 : vector<576xi32> to vector<1x1x576xi32>
    tpu.vector_store %arg5[%swap3A_110, %swap3A_111, %swap3A_112], %swap3A_115 {strides = array<i32>} : memref<8x1x576xi32, #tpu.memory_space<vmem>>, vector<1x1x576xi32>,
    %slice3A_116 = vector.extract_strided_slice %convert_element_type3A_67 {offsets = [4032], sizes = [576], strides = [1]} : vector<4608xi32> to vector<576xi32>
    %swap3A_117 = arith.constant 7 : index
    %swap3A_118 = arith.constant 0 : index
    %swap3A_119 = arith.constant 0 : index
    %swap3A_120 = vector.load %arg5[%swap3A_117, %swap3A_118, %swap3A_119] : memref<8x1x576xi32, #tpu.memory_space<vmem>>, vector<1x1x576xi32>
    %swap3A_121 = vector.shape_cast %swap3A_120 : vector<1x1x576xi32> to vector<576xi32>
    %swap3A_122 = vector.shape_cast %slice3A_116 : vector<576xi32> to vector<1x1x576xi32>
    tpu.vector_store %arg5[%swap3A_117, %swap3A_118, %swap3A_119], %swap3A_122 {strides = array<i32>} : memref<8x1x576xi32, #tpu.memory_space<vmem>>, vector<1x1x576xi32>,
    %slice3A_123 = vector.extract_strided_slice %dot_general3A_59 {offsets = [0, 0], sizes = [64, 4608], strides = [1, 1]} : vector<72x4608xf32> to vector<64x4608xf32>
    %sub3A = arith.subf %concatenate3A, %slice3A_123 : vector<64x4608xf32>
    %get3A_124 = arith.constant 0 : index
    %get3A_125 = arith.constant 0 : index
    %get3A_126 = vector.load %arg6[%get3A_124, %get3A_125] : memref<1x1xf32, #tpu.memory_space<vmem>>, vector<1x1xf32>
    %mul3A_127 = arith.mulf %sub3A, %sub3A : vector<64x4608xf32>
    %reduce_sum3A_128 = vector.shape_cast %mul3A_127 : vector<64x4608xf32> to vector<1x64x4608xf32>
    %reduce_sum3A_129 = arith.constant dense<0.000000e+00> : vector<1xf32>
    %reduce_sum3A_130 = vector.multi_reduction <add>, %reduce_sum3A_128, %reduce_sum3A_129 [1, 2] : vector<1x64x4608xf32> to vector<1xf32>
    %reduce_sum3A_131 = vector.shape_cast %reduce_sum3A_130 : vector<1xf32> to vector<1x1x1xf32>
    %reduce_sum3A_132 = vector.extract %reduce_sum3A_131[0, 0, 0] : f32 from vector<1x1x1xf32>
    %mul3A_133 = arith.constant 8.4771051E-7 : f32
    %mul3A_134 = arith.mulf %reduce_sum3A_132, %mul3A_133 : f32
    %reshape3A = vector.broadcast %mul3A_134 : f32 to vector<1x1xf32>
    %add3A_135 = arith.addf %get3A_126, %reshape3A : vector<1x1xf32>
    %swap3A_136 = arith.constant 0 : index
    %swap3A_137 = arith.constant 0 : index
    %swap3A_138 = vector.load %arg6[%swap3A_136, %swap3A_137] : memref<1x1xf32, #tpu.memory_space<vmem>>, vector<1x1xf32>
    tpu.vector_store %arg6[%swap3A_136, %swap3A_137], %add3A_135 {strides = array<i32>} : memref<1x1xf32, #tpu.memory_space<vmem>>, vector<1x1xf32>,
    %reduce_max3A_139 = vector.shape_cast %squeeze3A_66 : vector<4608xf32> to vector<1x4608xf32>
    %reduce_max3A_140 = arith.constant dense<0xFF800000> : vector<1xf32>
    %reduce_max3A_141 = vector.multi_reduction <maximumf>, %reduce_max3A_139, %reduce_max3A_140 [1] : vector<1x4608xf32> to vector<1xf32>
    %reduce_max3A_142 = vector.shape_cast %reduce_max3A_141 : vector<1xf32> to vector<1x1xf32>
    %reduce_max3A_143 = vector.extract %reduce_max3A_142[0, 0] : f32 from vector<1x1xf32>
    %gt3A = arith.constant 1.500000e+00 : f32
    %gt3A_144 = arith.cmpf ogt, %reduce_max3A_143, %gt3A : f32
    %convert_element_type3A_145 = arith.extui %gt3A_144 : i1 to i32
    %cond3A_146 = arith.constant 0 : i32
    %cond3A_147 = arith.cmpi ne, %convert_element_type3A_145, %cond3A_146 : i32
    scf.if %cond3A_147 {
      %iota3A = tpu.iota {dimensions = array<i32: 0>} : vector<1024x4608xi32>
      %convert_element_type3A_148 = arith.sitofp %iota3A : vector<1024x4608xi32> to vector<1024x4608xf32>
      %ge3A_149 = vector.broadcast %broadcast_in_dim3A_50 : vector<1x4608xf32> to vector<1024x4608xf32>
      %ge3A_150 = arith.cmpf oge, %dot_general3A_48, %ge3A_149 : vector<1024x4608xf32>
      %jit3A = arith.constant 1.024000e+03 : f32
      %broadcast_in_dim3A_151 = vector.broadcast %jit3A : f32 to vector<1024x4608xf32>
      %select_n3A = arith.select %ge3A_150, %convert_element_type3A_148, %broadcast_in_dim3A_151 : vector<1024x4608xi1>, vector<1024x4608xf32>
      %reduce_min3A = arith.constant dense<0x7F800000> : vector<4608xf32>
      %reduce_min3A_152 = vector.multi_reduction <minimumf>, %select_n3A, %reduce_min3A [0] : vector<1024x4608xf32> to vector<4608xf32>
      %convert_element_type3A_153 = arith.fptosi %reduce_min3A_152 : vector<4608xf32> to vector<4608xi32>
      %slice3A_154 = vector.extract_strided_slice %convert_element_type3A_153 {offsets = [0], sizes = [576], strides = [1]} : vector<4608xi32> to vector<576xi32>
      %swap3A_155 = arith.constant 0 : index
      %swap3A_156 = arith.constant 0 : index
      %swap3A_157 = arith.constant 0 : index
      %swap3A_158 = vector.load %arg5[%swap3A_155, %swap3A_156, %swap3A_157] : memref<8x1x576xi32, #tpu.memory_space<vmem>>, vector<1x1x576xi32>
      %swap3A_159 = vector.shape_cast %swap3A_158 : vector<1x1x576xi32> to vector<576xi32>
      %swap3A_160 = vector.shape_cast %slice3A_154 : vector<576xi32> to vector<1x1x576xi32>
      tpu.vector_store %arg5[%swap3A_155, %swap3A_156, %swap3A_157], %swap3A_160 {strides = array<i32>} : memref<8x1x576xi32, #tpu.memory_space<vmem>>, vector<1x1x576xi32>,
      %slice3A_161 = vector.extract_strided_slice %convert_element_type3A_153 {offsets = [576], sizes = [576], strides = [1]} : vector<4608xi32> to vector<576xi32>
      %swap3A_162 = arith.constant 1 : index
      %swap3A_163 = arith.constant 0 : index
      %swap3A_164 = arith.constant 0 : index
      %swap3A_165 = vector.load %arg5[%swap3A_162, %swap3A_163, %swap3A_164] : memref<8x1x576xi32, #tpu.memory_space<vmem>>, vector<1x1x576xi32>
      %swap3A_166 = vector.shape_cast %swap3A_165 : vector<1x1x576xi32> to vector<576xi32>
      %swap3A_167 = vector.shape_cast %slice3A_161 : vector<576xi32> to vector<1x1x576xi32>
      tpu.vector_store %arg5[%swap3A_162, %swap3A_163, %swap3A_164], %swap3A_167 {strides = array<i32>} : memref<8x1x576xi32, #tpu.memory_space<vmem>>, vector<1x1x576xi32>,
      %slice3A_168 = vector.extract_strided_slice %convert_element_type3A_153 {offsets = [1152], sizes = [576], strides = [1]} : vector<4608xi32> to vector<576xi32>
      %swap3A_169 = arith.constant 2 : index
      %swap3A_170 = arith.constant 0 : index
      %swap3A_171 = arith.constant 0 : index
      %swap3A_172 = vector.load %arg5[%swap3A_169, %swap3A_170, %swap3A_171] : memref<8x1x576xi32, #tpu.memory_space<vmem>>, vector<1x1x576xi32>
      %swap3A_173 = vector.shape_cast %swap3A_172 : vector<1x1x576xi32> to vector<576xi32>
      %swap3A_174 = vector.shape_cast %slice3A_168 : vector<576xi32> to vector<1x1x576xi32>
      tpu.vector_store %arg5[%swap3A_169, %swap3A_170, %swap3A_171], %swap3A_174 {strides = array<i32>} : memref<8x1x576xi32, #tpu.memory_space<vmem>>, vector<1x1x576xi32>,
      %slice3A_175 = vector.extract_strided_slice %convert_element_type3A_153 {offsets = [1728], sizes = [576], strides = [1]} : vector<4608xi32> to vector<576xi32>
      %swap3A_176 = arith.constant 3 : index
      %swap3A_177 = arith.constant 0 : index
      %swap3A_178 = arith.constant 0 : index
      %swap3A_179 = vector.load %arg5[%swap3A_176, %swap3A_177, %swap3A_178] : memref<8x1x576xi32, #tpu.memory_space<vmem>>, vector<1x1x576xi32>
      %swap3A_180 = vector.shape_cast %swap3A_179 : vector<1x1x576xi32> to vector<576xi32>
      %swap3A_181 = vector.shape_cast %slice3A_175 : vector<576xi32> to vector<1x1x576xi32>
      tpu.vector_store %arg5[%swap3A_176, %swap3A_177, %swap3A_178], %swap3A_181 {strides = array<i32>} : memref<8x1x576xi32, #tpu.memory_space<vmem>>, vector<1x1x576xi32>,
      %slice3A_182 = vector.extract_strided_slice %convert_element_type3A_153 {offsets = [2304], sizes = [576], strides = [1]} : vector<4608xi32> to vector<576xi32>
      %swap3A_183 = arith.constant 4 : index
      %swap3A_184 = arith.constant 0 : index
      %swap3A_185 = arith.constant 0 : index
      %swap3A_186 = vector.load %arg5[%swap3A_183, %swap3A_184, %swap3A_185] : memref<8x1x576xi32, #tpu.memory_space<vmem>>, vector<1x1x576xi32>
      %swap3A_187 = vector.shape_cast %swap3A_186 : vector<1x1x576xi32> to vector<576xi32>
      %swap3A_188 = vector.shape_cast %slice3A_182 : vector<576xi32> to vector<1x1x576xi32>
      tpu.vector_store %arg5[%swap3A_183, %swap3A_184, %swap3A_185], %swap3A_188 {strides = array<i32>} : memref<8x1x576xi32, #tpu.memory_space<vmem>>, vector<1x1x576xi32>,
      %slice3A_189 = vector.extract_strided_slice %convert_element_type3A_153 {offsets = [2880], sizes = [576], strides = [1]} : vector<4608xi32> to vector<576xi32>
      %swap3A_190 = arith.constant 5 : index
      %swap3A_191 = arith.constant 0 : index
      %swap3A_192 = arith.constant 0 : index
      %swap3A_193 = vector.load %arg5[%swap3A_190, %swap3A_191, %swap3A_192] : memref<8x1x576xi32, #tpu.memory_space<vmem>>, vector<1x1x576xi32>
      %swap3A_194 = vector.shape_cast %swap3A_193 : vector<1x1x576xi32> to vector<576xi32>
      %swap3A_195 = vector.shape_cast %slice3A_189 : vector<576xi32> to vector<1x1x576xi32>
      tpu.vector_store %arg5[%swap3A_190, %swap3A_191, %swap3A_192], %swap3A_195 {strides = array<i32>} : memref<8x1x576xi32, #tpu.memory_space<vmem>>, vector<1x1x576xi32>,
      %slice3A_196 = vector.extract_strided_slice %convert_element_type3A_153 {offsets = [3456], sizes = [576], strides = [1]} : vector<4608xi32> to vector<576xi32>
      %swap3A_197 = arith.constant 6 : index
      %swap3A_198 = arith.constant 0 : index
      %swap3A_199 = arith.constant 0 : index
      %swap3A_200 = vector.load %arg5[%swap3A_197, %swap3A_198, %swap3A_199] : memref<8x1x576xi32, #tpu.memory_space<vmem>>, vector<1x1x576xi32>
      %swap3A_201 = vector.shape_cast %swap3A_200 : vector<1x1x576xi32> to vector<576xi32>
      %swap3A_202 = vector.shape_cast %slice3A_196 : vector<576xi32> to vector<1x1x576xi32>
      tpu.vector_store %arg5[%swap3A_197, %swap3A_198, %swap3A_199], %swap3A_202 {strides = array<i32>} : memref<8x1x576xi32, #tpu.memory_space<vmem>>, vector<1x1x576xi32>,
      %slice3A_203 = vector.extract_strided_slice %convert_element_type3A_153 {offsets = [4032], sizes = [576], strides = [1]} : vector<4608xi32> to vector<576xi32>
      %swap3A_204 = arith.constant 7 : index
      %swap3A_205 = arith.constant 0 : index
      %swap3A_206 = arith.constant 0 : index
      %swap3A_207 = vector.load %arg5[%swap3A_204, %swap3A_205, %swap3A_206] : memref<8x1x576xi32, #tpu.memory_space<vmem>>, vector<1x1x576xi32>
      %swap3A_208 = vector.shape_cast %swap3A_207 : vector<1x1x576xi32> to vector<576xi32>
      %swap3A_209 = vector.shape_cast %slice3A_203 : vector<576xi32> to vector<1x1x576xi32>
      tpu.vector_store %arg5[%swap3A_204, %swap3A_205, %swap3A_206], %swap3A_209 {strides = array<i32>} : memref<8x1x576xi32, #tpu.memory_space<vmem>>, vector<1x1x576xi32>,
    } else {
    }
    return
  }
  func.func @transform_0(%arg0: i32) -> (i32, i32, i32) {
    %c0_i32 = arith.constant 0 : i32
    %c0_i32_0 = arith.constant 0 : i32
    %c0_i32_1 = arith.constant 0 : i32
    return %arg0, %c0_i32, %c0_i32_0 : i32, i32, i32
  }
  func.func @transform_1(%arg0: i32) -> (i32, i32) {
    %c0_i32 = arith.constant 0 : i32
    %c0_i32_0 = arith.constant 0 : i32
    %c0_i32_1 = arith.constant 0 : i32
    return %c0_i32, %c0_i32_0 : i32, i32
  }
  func.func @transform_2(%arg0: i32) -> (i32, i32) {
    %c0_i32 = arith.constant 0 : i32
    %c0_i32_0 = arith.constant 0 : i32
    %c0_i32_1 = arith.constant 0 : i32
    return %c0_i32, %c0_i32_0 : i32, i32
  }
  func.func @transform_3(%arg0: i32) -> (i32, i32) {
    %c0_i32 = arith.constant 0 : i32
    %c0_i32_0 = arith.constant 0 : i32
    %c0_i32_1 = arith.constant 0 : i32
    return %c0_i32, %c0_i32_0 : i32, i32
  }
  func.func @transform_4(%arg0: i32) -> (i32, i32, i32) {
    %c0_i32 = arith.constant 0 : i32
    %c0_i32_0 = arith.constant 0 : i32
    %c0_i32_1 = arith.constant 0 : i32
    return %arg0, %c0_i32, %c0_i32_0 : i32, i32, i32
  }
  func.func @transform_5(%arg0: i32) -> (i32, i32) {
    %c0_i32 = arith.constant 0 : i32
    %c0_i32_0 = arith.constant 0 : i32
    %c0_i32_1 = arith.constant 0 : i32
    return %c0_i32, %c0_i32_0 : i32, i32
  }
}

</mosaic_0001>

<sc_bundles>
// kernel: kernel.4.cloned.1.call-start
scs
__scs_entry_jumppad:
0x0: {  	(pc) =	sbr.rel $0x88, $3  }
0x1: {  	(tag) =	ssettag $0x0;
	lr =	simm.s32 $0x1  }
0x2: {  	[smem:$0x3F9E] =	sst lr;
	_ =	strace $0xD0000000  }
0x3: {  	_ = 	snop  }
0x4: {  	_ = 	snop  }
0x5: {  	_ = 	snop  }
0x6: {  	_ = 	snop  }
0x7: {  	_ = 	snop  }
__scs_overlays_trampoline_lowered:
0x8: {  	[smem:$0x3FAD] =	sst s0  }
0x9: {  	[smem:$0x3FAE] =	sst s1  }
0xa: {  	[smem:$0x3FAF] =	sst s2  }
0xb: {  	[smem:$0x3FB0] =	sst s3  }
0xc: {  	[smem:$0x3FB1] =	sst s4  }
0xd: {  	[smem:$0x3FB2] =	sst s5  }
0xe: {  	[smem:$0x3FB3] =	sst s6  }
0xf: {  	[smem:$0x3FB4] =	sst s7  }
0x10: {  	[smem:$0x3FB5] =	sst s8  }
0x11: {  	[smem:$0x3FB6] =	sst s9;
	s0 =	simm.s32 @!p0 $0x0  }
0x12: {  	s1 =	sld [smem:$0x3F9C];
	s0 =	simm.s32 @p0 $0x1  }
0x13: {  	[smem:$0x3FB7] =	sst s0;
	s0 =	simm.s32 @!p1 $0x0  }
0x14: {  	s2 =	sld [smem:$0x3F9B];
	s0 =	simm.s32 @p1 $0x1  }
0x15: {  	[smem:$0x3FB8] =	sst s0;
	s0 =	simm.s32 @!p2 $0x0  }
0x16: {  	s3 =	sld [smem:$0x3FDB];
	s0 =	simm.s32 @p2 $0x1  }
0x17: {  	s4 =	simm.s32 $0x1BF5;
	[smem:$0x3FBA] =	sst s0  }
0x18: {  	s0 =	sld [smem:$0x3F9D];
	_ =	swait.ge [sflag:s4], $0x0  }
0x19: {  	s7 =	sld [smem:$0x3F9E]  }
0x1a: {  	s8 =	sadd.s32 $0xFFFFE003, lr  }
0x1b: {  	s9 =	sadd.s32 $0xFFFFFEF7, lr;
	s5 =	simm.s32 $0xFFFFFFFF;
	p2 =	slt.u32 s8, $0xFFFFF086  }
0x1c: {  	p1 =	slt.u32 s9, $0xF7A;
	s5 =	simm.s32 @!p2 $0x0  }
0x1d: {  	s5 =	simm.s32 @p1 $0x1;
	p0 =	seq.s32 s7, s2  }
0x1e: {  	s7 =	smul.u32 @!p0 $0xF7A, s2;
	p2 =	seq.s32 @!p0 s5, $0x0  }
0x1f: {  	s9 =	smul.u32 $0xF7A, s1;
	s8 =	simm.s32 @!p0 $0x1BF5;
	p2 =	por !p2, p0  }
0x20: {  	[sflag:s8] =	ssyncset.s32 @!p0 $0xFFFFF086;
	s6 =	sadd.s32 @!p0 s3, s7;
	s7 =	simm.s32 @!p0 $0x108  }
0x21: {  	s3 =	sadd.s32 s3, s9;
	s6 =	sadd.s32 @!p0 $0x88, s6;
	s7 =	simm.s32 @p2 $0x1082  }
0x22: {  	[simem:s7], [sflag:s8] =	dma.local @!p0 [hbm:s6], $0xF7A  }
0x23: {  	s9 =	sor.u32 $0xD0000000, s2;
	s6 =	simm.s32 $0x108;
	_ =	swait.ge @!p0 [sflag:s8], $0x0  }
0x24: {  	s3 =	sadd.s32 $0x88, s3;
	s6 =	simm.s32 @!p1 $0x1082;
	[sflag:s4] =	ssyncset.s32 $0xFFFFF086  }
0x25: {  	[simem:s6], [sflag:s4] =	dma.local [hbm:s3], $0xF7A  }
0x26: {  	[smem:$0x3F9E] =	sst s1;
	(tag) =	ssettag s2;
	_ =	strace s9  }
0x27: {  	s1 =	sld [smem:$0x3FAE]  }
0x28: {  	s2 =	sld [smem:$0x3FAF]  }
0x29: {  	s4 =	sld [smem:$0x3FB1]  }
0x2a: {  	p0 =	seq.s32 s5, $0x0;
	s5 =	sld [smem:$0x3FB2]  }
0x2b: {  	s6 =	sld [smem:$0x3FB3]  }
0x2c: {  	s7 =	sld [smem:$0x3FB4]  }
0x2d: {  	s3 =	simm.s32 $0x108;
	s8 =	sld [smem:$0x3FB5]  }
0x2e: {  	s3 =	simm.s32 @!p0 $0x1082;
	s9 =	sld [smem:$0x3FB6]  }
0x2f: {  	lr =	sadd.s32 s0, s3;
	s0 =	sld [smem:$0x3FAD]  }
0x30: {  	s3 =	sld [smem:$0x3FB0]  }
0x31: {  	[smem:$0x3FB9] =	sst s10  }
0x32: {  	s10 =	sld [smem:$0x3FB7];
	_ =	sdelay $0x3  }
0x33: {  	p0 =	seq.s32 s10, $0x1;
	s10 =	sld [smem:$0x3FB9];
	_ =	sdelay $0x3  }
0x34: {  	[smem:$0x3FB9] =	sst s10  }
0x35: {  	s10 =	sld [smem:$0x3FB8];
	_ =	sdelay $0x3  }
0x36: {  	p1 =	seq.s32 s10, $0x1;
	s10 =	sld [smem:$0x3FB9];
	_ =	sdelay $0x3  }
0x37: {  	[smem:$0x3FB9] =	sst s10  }
0x38: {  	s10 =	sld [smem:$0x3FBA]  }
0x39: {  	_ = 	snop;
	(pc) =	sbr.ind lr, $3  }
0x3a: {  	_ = 	snop  }
0x3b: {  	_ = 	snop  }
0x3c: {  	p2 =	seq.s32 s10, $0x1;
	s10 =	sld [smem:$0x3FB9]  }
0x3d: {  	_ =	shalt  }
0x3e: {  	_ =	shalt  }
0x3f: {  	_ =	shalt  }
0x40: {  	_ =	shalt  }
0x41: {  	_ =	shalt  }
0x42: {  	_ =	shalt  }
0x43: {  	_ =	shalt  }
0x44: {  	_ =	shalt  }
0x45: {  	_ =	shalt  }
0x46: {  	_ =	shalt  }
0x47: {  	_ =	shalt  }
0x48: {  	_ =	shalt  }
0x49: {  	_ =	shalt  }
0x4a: {  	_ =	shalt  }
0x4b: {  	_ =	shalt  }
0x4c: {  	_ =	shalt  }
0x4d: {  	_ =	shalt  }
0x4e: {  	_ =	shalt  }
0x4f: {  	_ =	shalt  }
0x50: {  	_ =	shalt  }
0x51: {  	_ =	shalt  }
0x52: {  	_ =	shalt  }
0x53: {  	_ =	shalt  }
0x54: {  	_ =	shalt  }
0x55: {  	_ =	shalt  }
0x56: {  	_ =	shalt  }
0x57: {  	_ =	shalt  }
0x58: {  	_ =	shalt  }
0x59: {  	_ =	shalt  }
0x5a: {  	_ =	shalt  }
0x5b: {  	_ =	shalt  }
0x5c: {  	_ =	shalt  }
0x5d: {  	_ =	shalt  }
0x5e: {  	_ =	shalt  }
0x5f: {  	_ =	shalt  }
0x60: {  	_ =	shalt  }
0x61: {  	_ =	shalt  }
0x62: {  	_ =	shalt  }
0x63: {  	_ =	shalt  }
0x64: {  	_ =	shalt  }
0x65: {  	_ =	shalt  }
0x66: {  	_ =	shalt  }
0x67: {  	_ =	shalt  }
0x68: {  	_ =	shalt  }
0x69: {  	_ =	shalt  }
0x6a: {  	_ =	shalt  }
0x6b: {  	_ =	shalt  }
0x6c: {  	_ =	shalt  }
0x6d: {  	_ =	shalt  }
0x6e: {  	_ =	shalt  }
0x6f: {  	_ =	shalt  }
0x70: {  	_ =	shalt  }
0x71: {  	_ =	shalt  }
0x72: {  	_ =	shalt  }
0x73: {  	_ =	shalt  }
0x74: {  	_ =	shalt  }
0x75: {  	_ =	shalt  }
0x76: {  	_ =	shalt  }
0x77: {  	_ =	shalt  }
0x78: {  	_ =	shalt  }
0x79: {  	_ =	shalt  }
0x7a: {  	_ =	shalt  }
0x7b: {  	_ =	shalt  }
0x7c: {  	_ =	shalt  }
0x7d: {  	_ =	shalt  }
0x7e: {  	_ =	shalt  }
0x7f: {  	_ =	shalt  }
0x80: {  	_ =	shalt  }
0x81: {  	_ =	shalt  }
0x82: {  	_ =	shalt  }
0x83: {  	_ =	shalt  }
0x84: {  	_ =	shalt  }
0x85: {  	_ =	shalt  }
0x86: {  	_ =	shalt  }
0x87: {  	_ =	shalt  }
.Lfunc_end0:
.L_simem_size_0:
called_computation_lowered:
.L_overlay_start_0:
0x88: {  	s2 =	sld [smem:$0x3FD9]  }
0x89: {  	s3 =	sld [smem:$0x3FFE];
	_ =	sdelay $0x1  }
0x8a: {  	s1 =	srdreg.scid  }
0x8b: {  	s0 =	sand.u32 $0x1, s1  }
0x8c: {  	s14 =	sshll.u32 s0, $0xA;
	s2 =	sadd.s32 s3, s2  }
0x8d: {  	s2 =	sadd.s32 s2, s14  }
0x8e: {  	[smem:$0x3FC5] =	sst s2  }
0x8f: {  	_ = 	snop  }
0x90: {  	s2 =	sld [smem:$0x3FD0];
	_ =	sdelay $0x2  }
0x91: {  	s15 =	simm.s32 $0xA;
	s4 =	simm.s32 $0x10  }
0x92: {  	[smem:s4], [sflag:s15] =	dma.local [hbm:s2], $0x1  }
0x93: {  	_ =	swait.eq [sflag:s15], $0x1  }
0x94: {  	[sflag:s15] =	ssyncset.done $0x0  }
0x95: {  	s16 =	sld [smem:$0x10];
	[sflag:s15] =	ssyncadd.s32 $0xFFFFFFFF  }
0x96: {  	s17 =	sld [smem:$0x13];
	(tm) =	ssettm $0x1  }
0x97: {  	s18 =	sld [smem:$0x3FFB];
	_ =	sdelay $0x3  }
0x98: {  	_ =	strace s18  }
0x99: {  	s4 =	sld [smem:$0x3FFC];
	_ =	sdelay $0x3  }
0x9a: {  	_ =	strace s4  }
0x9b: {  	s4 =	sld [smem:$0x3FFD];
	_ =	sdelay $0x3  }
0x9c: {  	_ =	strace s4  }
0x9d: {  	_ =	strace $0x8FFFFFFF  }
0x9e: {  	s19 =	sld [smem:$0x3FDB];
	_ =	sdelay $0x1  }
0x9f: {  	s5 =	simm.s32 $_scs_section_size  }
0xa0: {  	s6 =	simm.s32 $_size__tile_overlayer_lowered;
	s7 =	simm.s32 $_tile_overlayer_lowered  }
0xa1: {  	s22 =	simm.s32 $0x1BFF;
	s21 =	sshll.u32 s7, $0x1;
	s4 =	sadd.s32 s5, s19  }
0xa2: {  	s8 =	simm.s32 $0x0;
	s20 =	sshll.u32 s6, $0x1;
	s6 =	sadd.s32 s21, s4  }
0xa3: {  	[timem:s8], [sflag:s22] =	dma.local [hbm:s6], s20  }
0xa4: {  	_ =	swait.ge [sflag:s22], s20  }
0xa5: {  	s5 =	ssub.s32 $0x0, s20;
	[sflag:s22] =	ssyncset.done $0x0  }
0xa6: {  	[sflag:s22] =	ssyncadd.s32 s5;
	_ =	sdelay $0x1  }
0xa7: {  	s23 =	simm.s32 $0x1B8B  }
0xa8: {  	_ =	swait.ge [sflag:s23], $0x1  }
0xa9: {  	[sflag:s23] =	ssyncset.done $0x0  }
0xaa: {  	s25 =	simm.s32 $0x1B8E;
	s24 =	sld [smem:$0x3FFE];
	[sflag:s23] =	ssyncadd.s32 $0xFFFFFFFF  }
0xab: {  	s26 =	simm.s32 $execute0_lowered;
	[smem:$0x3FD2] =	sst s25  }
0xac: {  	s6 =	sshll.u32 s26, $0x1;
	_ =	strace $0x80000046;
	[dreg:$0x1] =	wrdreg $0xFFFFFFFF  }
0xad: {  	s28 =	simm.s32 $_size_execute0_lowered;
	s4 =	sadd.s32 s4, s6;
	[dreg:$0x0] =	wrdreg $0x0  }
0xae: {  	s6 =	sshll.u32 s28, $0x1;
	[dreg:$0x2] =	wrdreg s4  }
0xaf: {  	[dreg:$0x3] =	wrdreg s6  }
0xb0: {  	[dreg:$0x4] =	wrdreg $0xC0  }
0xb1: {  	_ =	task [dreg:s8], $0x5FFFF  }
0xb2: {  	[dreg:$0x1] =	wrdreg $0xFFFFFFFF  }
0xb3: {  	[dreg:$0x0] =	wrdreg $0x60  }
0xb4: {  	[dreg:$0x2] =	wrdreg s16  }
0xb5: {  	[dreg:$0x3] =	wrdreg s17  }
0xb6: {  	[dreg:$0x4] =	wrdreg s24  }
0xb7: {  	[dreg:$0x5] =	wrdreg $0x9  }
0xb8: {  	_ =	task.clear_ibuf [dreg:s8], $0x6FFFF;
	_ =	strace $0x90000046  }
0xb9: {  	s29 =	simm.s32 $0x9;
	_ =	strace $0x80000048  }
0xba: {  	_ =	swait.ge [sflag:s29], $0x1  }
0xbb: {  	[sflag:s29] =	ssyncadd.s32 $0xFFFFFFFF  }
0xbc: {  	_ =	strace $0x90000048  }
0xbd: {  	_ =	sfence  }
0xbe: {  	s30 =	sld [smem:$0x0];
	_ =	sdelay $0x2  }
0xbf: {  	s31 =	sshll.u32 s1, $0xD;
	s1 =	sshrl.u32 s1, $0x2  }
0xc0: {  	s3 =	sand.u32 $0x4000, s31;
	s1 =	sadd.s32 s1, s30  }
0xc1: {  	s0 =	sor.u32 s3, s0;
	s1 =	sshll.u32 s1, $0x11  }
0xc2: {  	s0 =	sor.u32 s1, s0  }
0xc3: {  	s0 =	sadd.s32 $0x8F2B, s0  }
0xc4: {  	[sflag:s0] =	ssyncadd.remote.s32 $0x1  }
0xc5: {  	_ =	sfence.sel $0xFFFF  }
0xc6: {  	[dreg:$0x0] =	wrdreg $0xFFFFFFFF;
	(pc) =	sbr.abs _section_cstart, $3  }
0xc7: {  	[dreg:$0x1] =	wrdreg $0xFFFFFFFF  }
0xc8: {  	_ =	task.clear_ibuf [dreg:s8], $0x2FFFF;
	_ =	strace $0x9FFFFFFF  }
0xc9: {  	(tm) =	ssettm $0x7FFFFFFF  }
tec
execute0_lowered:
.L_overlay_start_1:
0x0: {  	(tag) =	ssettag $0x1  }
0x1: {  	s1 =	rddreg [dreg:$0x0]  }
0x2: {  	s2 =	srdreg.scid;
	s0 =	stileid.u32  }
0x3: {  	s4 =	rddreg [dreg:$0x1];
	s18 =	sand.u32 $0x1, s2;
	s29 =	sshll.u32 s0, $0x1  }
0x4: {  	s19 =	rddreg [dreg:$0x2];
	s20 =	sor.u32 s18, s29  }
0x5: {  	s3 =	simm.s32 $0x0;
	s2 =	rddreg [dreg:$0x3];
	s5 =	smul.u32 $0x48, s20  }
0x6: {  	[smem:$0x7FF] =	sst s3  }
0x7: {  	_ =	strace $0x80000047;
	s5 =	sadd.s32 s4, s5;
	s4 =	simm.s32 $0x2  }
0x8: {  	[tilespmem:s3], [sflag:$0x2] =	stream.linear.gather [hbm4b:s5+s3], $0x240, $0x38;
	[tilespmem:$0x12280] =	vst v63  }
0x9: {  	_ =	swait.ge [sflag:s4], $0x240  }
0xa: {  	[sflag:s4] =	ssyncset.done $0x0  }
0xb: {  	s6 =	simm.s32 $0x60;
	s7 =	simm.s32 $0x280;
	[sflag:s4] =	ssyncadd.s32 $0xFFFFFDC0  }
0xc: {  	[tilespmem:s7], [sflag:$0x1] =	stream.indirect.gather [hbm4b:s1+s6], $0x80, s3, s6, $0xb8;
	[tilespmem:$0x12280] =	vst v63  }
0xd: {  	s8 =	simm.s32 $0x3280  }
0xe: {  	[tilespmem:s8], [sflag:$0x1] =	stream.indirect.gather [hbm4b:s1+s6], $0x80, s6, s6, $0xb8;
	[tilespmem:$0x12280] =	vst v63  }
0xf: {  	s9 =	simm.s32 $0xC0;
	s10 =	simm.s32 $0x6280  }
0x10: {  	[tilespmem:s10], [sflag:$0x1] =	stream.indirect.gather [hbm4b:s1+s6], $0x80, s9, s6, $0xb8;
	[tilespmem:$0x12280] =	vst v63  }
0x11: {  	s11 =	simm.s32 $0x120;
	s12 =	simm.s32 $0x9280  }
0x12: {  	[tilespmem:s12], [sflag:$0x1] =	stream.indirect.gather [hbm4b:s1+s6], $0x80, s11, s6, $0xb8;
	[tilespmem:$0x12280] =	vst v63  }
0x13: {  	s13 =	simm.s32 $0x180;
	s14 =	simm.s32 $0xC280  }
0x14: {  	[tilespmem:s14], [sflag:$0x1] =	stream.indirect.gather [hbm4b:s1+s6], $0x80, s13, s6, $0xb8;
	[tilespmem:$0x12280] =	vst v63  }
0x15: {  	s15 =	simm.s32 $0x1E0;
	s16 =	simm.s32 $0xF280;
	s17 =	simm.s32 $0x1  }
0x16: {  	[tilespmem:s16], [sflag:$0x1] =	stream.indirect.gather [hbm4b:s1+s6], $0x80, s15, s6, $0xb8;
	[tilespmem:$0x12280] =	vst v63  }
0x17: {  	_ =	swait.ge [sflag:s17], $0x3000  }
0x18: {  	[sflag:s17] =	ssyncset.done $0x0  }
0x19: {  	[sflag:s17] =	ssyncadd.s32 $0xFFFFD000  }
0x1a: {  	_ =	swait.ge [sflag:s17], $0x3000  }
0x1b: {  	[sflag:s17] =	ssyncset.done $0x0  }
0x1c: {  	[sflag:s17] =	ssyncadd.s32 $0xFFFFD000  }
0x1d: {  	_ =	swait.ge [sflag:s17], $0x3000  }
0x1e: {  	[sflag:s17] =	ssyncset.done $0x0  }
0x1f: {  	[sflag:s17] =	ssyncadd.s32 $0xFFFFD000  }
0x20: {  	_ =	swait.ge [sflag:s17], $0x3000  }
0x21: {  	[sflag:s17] =	ssyncset.done $0x0  }
0x22: {  	s18 =	ssub.s32 $0x2, s18;
	[sflag:s17] =	ssyncadd.s32 $0xFFFFD000  }
0x23: {  	s21 =	sshrl.u32 s18, $0x1;
	_ =	swait.ge [sflag:s17], $0x3000  }
0x24: {  	s30 =	ssub.s32 s18, s21;
	[sflag:s17] =	ssyncset.done $0x0  }
0x25: {  	s20 =	smul.u32 $0x2400, s20;
	s31 =	smax.u32 s30, $0x1;
	[sflag:s17] =	ssyncadd.s32 $0xFFFFD000  }
0x26: {  	p0 =	sne.s32 s31, $0x1;
	_ =	swait.ge [sflag:s17], $0x3000  }
.Ltmp0:
0x27: {  	s19 =	sadd.s32 s20, s19;
	[sflag:s17] =	ssyncset.done $0x0;
	(pc) =	sbr.rel @!p0 .LBB2_2-.Ltmp0, $4  }
0x28: {  	s18 =	sadd.s32 $0x600, s19;
	[sflag:s17] =	ssyncadd.s32 $0xFFFFD000  }
0x29: {  	[hbm4b:s18+s3] =	stream.linear.scatter [tilespmem:s7], [sflag:$0x2], $0x12000, $0x38;
	[tilespmem:$0x12280] =	vst v63  }
0x2a: {  	_ =	swait.ge [sflag:s4], $0x12000  }
0x2b: {  	s19 =	sadd.s32 $0xFFFFFFFF, s31;
	[sflag:s4] =	ssyncset.done $0x0  }
.LBB2_1:
0x2c: {  	p0 =	sne.s32 s19, $0x1;
	s19 =	sadd.s32 $0xFFFFFFFF, s19;
	[sflag:s4] =	ssyncadd.s32 $0xFFFEE000  }
0x2d: {  	[tilespmem:s3], [sflag:$0x2] =	stream.linear.gather [hbm4b:s5+s3], $0x240, $0x38;
	[tilespmem:$0x12280] =	vst v63  }
0x2e: {  	_ =	swait.ge [sflag:s4], $0x240  }
0x2f: {  	[sflag:s4] =	ssyncset.done $0x0  }
0x30: {  	[sflag:s4] =	ssyncadd.s32 $0xFFFFFDC0  }
0x31: {  	[tilespmem:s7], [sflag:$0x1] =	stream.indirect.gather [hbm4b:s1+s6], $0x80, s3, s6, $0xb8;
	[tilespmem:$0x12280] =	vst v63  }
0x32: {  	_ = 	snop  }
0x33: {  	[tilespmem:s8], [sflag:$0x1] =	stream.indirect.gather [hbm4b:s1+s6], $0x80, s6, s6, $0xb8;
	[tilespmem:$0x12280] =	vst v63  }
0x34: {  	_ = 	snop  }
0x35: {  	[tilespmem:s10], [sflag:$0x1] =	stream.indirect.gather [hbm4b:s1+s6], $0x80, s9, s6, $0xb8;
	[tilespmem:$0x12280] =	vst v63  }
0x36: {  	_ = 	snop  }
0x37: {  	[tilespmem:s12], [sflag:$0x1] =	stream.indirect.gather [hbm4b:s1+s6], $0x80, s11, s6, $0xb8;
	[tilespmem:$0x12280] =	vst v63  }
0x38: {  	_ = 	snop  }
0x39: {  	[tilespmem:s14], [sflag:$0x1] =	stream.indirect.gather [hbm4b:s1+s6], $0x80, s13, s6, $0xb8;
	[tilespmem:$0x12280] =	vst v63  }
0x3a: {  	_ = 	snop  }
0x3b: {  	[tilespmem:s16], [sflag:$0x1] =	stream.indirect.gather [hbm4b:s1+s6], $0x80, s15, s6, $0xb8;
	[tilespmem:$0x12280] =	vst v63  }
0x3c: {  	_ =	swait.ge [sflag:s17], $0x3000  }
0x3d: {  	[sflag:s17] =	ssyncset.done $0x0  }
0x3e: {  	[sflag:s17] =	ssyncadd.s32 $0xFFFFD000  }
0x3f: {  	_ =	swait.ge [sflag:s17], $0x3000  }
0x40: {  	[sflag:s17] =	ssyncset.done $0x0  }
0x41: {  	[sflag:s17] =	ssyncadd.s32 $0xFFFFD000  }
0x42: {  	_ =	swait.ge [sflag:s17], $0x3000  }
0x43: {  	[sflag:s17] =	ssyncset.done $0x0  }
0x44: {  	[sflag:s17] =	ssyncadd.s32 $0xFFFFD000  }
0x45: {  	_ =	swait.ge [sflag:s17], $0x3000  }
0x46: {  	[sflag:s17] =	ssyncset.done $0x0  }
0x47: {  	[sflag:s17] =	ssyncadd.s32 $0xFFFFD000  }
0x48: {  	_ =	swait.ge [sflag:s17], $0x3000  }
0x49: {  	[sflag:s17] =	ssyncset.done $0x0  }
0x4a: {  	[sflag:s17] =	ssyncadd.s32 $0xFFFFD000  }
0x4b: {  	_ =	swait.ge [sflag:s17], $0x3000  }
.Ltmp1:
0x4c: {  	[sflag:s17] =	ssyncset.done $0x0;
	(pc) =	sbr.rel @p0 .LBB2_1-.Ltmp1, $4  }
0x4d: {  	[sflag:s17] =	ssyncadd.s32 $0xFFFFD000  }
0x4e: {  	[hbm4b:s18+s3] =	stream.linear.scatter [tilespmem:s7], [sflag:$0x2], $0x12000, $0x38;
	[tilespmem:$0x12280] =	vst v63  }
0x4f: {  	_ =	swait.ge [sflag:s4], $0x12000  }
0x50: {  	[sflag:s4] =	ssyncset.done $0x0  }
.LBB2_2:
0x51: {  	[sflag:s4] =	ssyncadd.s32 $0xFFFEE000  }
0x52: {  	_ =	sfence.sel $0x180000  }
0x53: {  	[bflag:$0x0] =	sbarrier.arrive $0xFFFF  }
0x54: {  	p0 =	sne.s32 s0, $0x0;
	_ =	strace $0x90000047  }
0x55: {  	s0 =	sadd.s32 @!p0 $0x100000, s2;
	[bflag:$0x2] =	sbarrier.arrive $0xFFFF  }
0x56: {  	[sflag:s0] =	ssyncadd.tile.s32 @!p0 $0x1;
	_ =	shalt  }
.Lfunc_end2:
_tile_overlayer_lowered:
.L_overlay_start_2:
0x57: {  	(tag) =	ssettag $0x2  }
0x58: {  	s0 =	rddreg [dreg:$0x0];
	s2 =	stileid.u32  }
0x59: {  	s1 =	rddreg [dreg:$0x1];
	p0 =	sne.s32 s2, $0x0  }
0x5a: {  	s3 =	rddreg [dreg:$0x2];
	[bflag:$0x3] =	sbarrier.arrive $0xFFFF;
	s2 =	simm.s32 @!p0 $0x1C02  }
0x5b: {  	[timem:s3], [sflag:s2] =	dma.local @!p0 [hbm:s0], s1  }
0x5c: {  	s0 =	simm.s32 @!p0 $0x2  }
0x5d: {  	_ =	swait.ge @!p0 [sflag:s0], s1  }
0x5e: {  	s1 =	ssub.s32 @!p0 $0x0, s1;
	[sflag:s0] =	ssyncset.done @!p0 $0x0  }
0x5f: {  	[sflag:s0] =	ssyncadd.s32 @!p0 s1  }
0x60: {  	[bflag:$0x3] =	sbarrier.arrive $0xFFFF  }
0x61: {  	_ =	shalt  }

</sc_bundles>
